<compile_context>
chip_gen: v7x
topology: tpu7x:2x2x1
jax: 0.10.2.dev20260603
libtpu: 0.0.44.dev20260713+nightly
codegen_flags: <defaults>
</compile_context>

<pallas_src>
import dataclasses

import jax
import jax.numpy as jnp
from jax import lax
from jax.experimental import pallas as pl
from jax.experimental.pallas import tpu as pltpu
from jax.experimental.pallas import tpu_sc as plsc

N = 10000
D = 128
E = 320000

NC = 2
NS = 16
NW = NC * NS

NP = 10240
HN = NP // NC
B = 128
CW = 160
C = 80
EP = NW * C * B
RS = NP // NS
H0 = 4480
AR = 5760
AZ = AR // NS
MR0 = H0 // NS
MR1 = (NP - H0) // NS

_mesh = plsc.VectorSubcoreMesh(core_axis_name="c", subcore_axis_name="s")

_cp = pltpu.CompilerParams()
if "needs_layout_passes" in pltpu.CompilerParams.__dataclass_fields__:
    _cp = dataclasses.replace(_cp, needs_layout_passes=False)



def _deg_body(dst_hbm, deg_hbm, idx_v, ones_v, z_v, deg_sh):
    c = lax.axis_index("c")
    s = lax.axis_index("s")
    w = c * NS + s

    @pl.loop(0, B, step=16)
    def _(i):
        ones_v[pl.ds(i, 16)] = jnp.ones((16,), jnp.float32)

    @pl.loop(0, RS, step=16)
    def _(i):
        z_v[pl.ds(i, 16)] = jnp.zeros((16,), jnp.float32)

    pltpu.sync_copy(z_v, deg_sh.at[pl.ds(s * RS, RS)])
    pltpu.sync_copy(dst_hbm.at[w], idx_v)
    plsc.subcore_barrier()

    @pl.loop(0, C)
    def _(j):
        pltpu.sync_copy(ones_v, deg_sh.at[idx_v.at[j]], add=True)

    plsc.subcore_barrier()
    pltpu.sync_copy(deg_sh.at[pl.ds(s * RS, RS)],
                    deg_hbm.at[c, pl.ds(s * RS, RS)])


@jax.jit
def _deg_call(dst3):
    return pl.kernel(
        _deg_body,
        out_type=jax.ShapeDtypeStruct((NC, NP), jnp.float32),
        mesh=_mesh,
        scratch_types=[
            pltpu.VMEM((C, B), jnp.int32),
            pltpu.VMEM((B,), jnp.float32),
            pltpu.VMEM((RS,), jnp.float32),
            pltpu.VMEM_SHARED((NP,), jnp.float32),
        ],
    )(dst3)


K = 2
CWB = CW * B
TRASH = 5632
PADSRC = NP - 1


def _route_body(src_hbm, dst_hbm, srcc_hbm, dstc_hbm, ncnt_hbm,
                srcw, dstw, srcb, dstb, nsm):
    c = lax.axis_index("c")
    s = lax.axis_index("s")
    lo = c * H0

    pltpu.sync_copy(src_hbm.at[pl.ds(s * CWB, CWB)], srcw)
    pltpu.sync_copy(dst_hbm.at[pl.ds(s * CWB, CWB)], dstw)

    def body(i, off):
        k = i * 16
        d = dstw[pl.ds(k, 16)]
        sv = srcw[pl.ds(k, 16)]
        hi = jnp.where(c == 0, jnp.int32(H0), jnp.int32(N))
        m = (d >= lo) & (d < hi)
        plsc.store_compressed(dstb.at[pl.ds(off, 16)], d - lo, mask=m)
        plsc.store_compressed(srcb.at[pl.ds(off, 16)], sv, mask=m)
        return off + jnp.sum(m.astype(jnp.int32))

    off = lax.fori_loop(0, CWB // 16, body, jnp.int32(0))

    for i in range(33):
        dstb[pl.ds(off + 16 * i, 16)] = jnp.full((16,), TRASH, jnp.int32)
        srcb[pl.ds(off + 16 * i, 16)] = jnp.full((16,), PADSRC, jnp.int32)

    nreal = (off + B - 1) // B
    nch = jnp.maximum(((nreal + K - 1) // K) * K, K)
    nsm[pl.ds(0, 16)] = jnp.zeros((16,), jnp.int32) + nch

    pltpu.sync_copy(srcb.at[pl.ds(0, CWB)], srcc_hbm.at[c, s])
    pltpu.sync_copy(dstb.at[pl.ds(0, CWB)], dstc_hbm.at[c, s])
    pltpu.sync_copy(nsm, ncnt_hbm.at[c, s])


@jax.jit
def _route_call(src, dst):
    return pl.kernel(
        _route_body,
        out_type=[jax.ShapeDtypeStruct((NC, NS, CWB), jnp.int32),
                  jax.ShapeDtypeStruct((NC, NS, CWB), jnp.int32),
                  jax.ShapeDtypeStruct((NC, NS, 16), jnp.int32)],
        mesh=_mesh,
        scratch_types=[
            pltpu.VMEM((CWB,), jnp.int32),
            pltpu.VMEM((CWB,), jnp.int32),
            pltpu.VMEM((CWB + 544,), jnp.int32),
            pltpu.VMEM((CWB + 544,), jnp.int32),
            pltpu.VMEM((16,), jnp.int32),
        ],
        compiler_params=_cp,
    )(src, dst)


def _msg_body(y_hbm, srcc_hbm, dstc_hbm, ncnt_hbm, m_hbm,
              srcv, dstv, rows, nsm, acc, gsem):
    c = lax.axis_index("c")
    s = lax.axis_index("s")

    pltpu.sync_copy(ncnt_hbm.at[c, s], nsm)
    nch = nsm[pl.ds(0, 16)][0]
    pltpu.async_copy(srcc_hbm.at[c, s], srcv, gsem.at[0])
    pltpu.async_copy(dstc_hbm.at[c, s], dstv, gsem.at[1])

    @pl.loop(0, B)
    def _(r):
        @pl.loop(0, D, step=16)
        def _(k):
            rows[0, r, pl.ds(k, 16)] = jnp.zeros((16,), jnp.float32)

    pltpu.sync_copy(rows.at[0], acc.at[pl.ds(s * AZ, B)])
    pltpu.sync_copy(rows.at[0], acc.at[pl.ds(s * AZ + B, B)])
    pltpu.sync_copy(rows.at[0, pl.ds(0, AZ - 2 * B)],
                    acc.at[pl.ds(s * AZ + 2 * B, AZ - 2 * B)])
    pltpu.make_async_copy(srcc_hbm.at[c, s], srcv, gsem.at[0]).wait()
    pltpu.make_async_copy(dstc_hbm.at[c, s], dstv, gsem.at[1]).wait()
    plsc.subcore_barrier()

    for b in range(K):
        pltpu.async_copy(y_hbm.at[srcv.at[b]], rows.at[b], gsem.at[b])

    def ring(t, _):
        g = t * K
        for b in range(K):
            j = g + b
            pltpu.make_async_copy(y_hbm.at[srcv.at[j]], rows.at[b],
                                  gsem.at[b]).wait()
            pltpu.sync_copy(rows.at[b], acc.at[dstv.at[j]], add=True)
            nxt = jnp.minimum(g + K + b, nch - 1)
            pltpu.async_copy(y_hbm.at[srcv.at[nxt]], rows.at[b], gsem.at[b])
        return 0

    lax.fori_loop(0, nch // K, ring, 0)

    for b in range(K):
        pltpu.make_async_copy(y_hbm.at[srcv.at[0]], rows.at[b],
                              gsem.at[b]).wait()

    plsc.subcore_barrier()

    @pl.when(c == 0)
    def _():
        pltpu.sync_copy(acc.at[pl.ds(s * MR0, MR0)],
                        m_hbm.at[pl.ds(s * MR0, MR0)])

    @pl.when(c == 1)
    def _():
        pltpu.sync_copy(acc.at[pl.ds(s * MR1, MR1)],
                        m_hbm.at[pl.ds(H0 + s * MR1, MR1)])


@jax.jit
def _msg_call(y, srcc, dstc, ncnt):
    return pl.kernel(
        _msg_body,
        out_type=jax.ShapeDtypeStruct((NP, D), jnp.float32),
        mesh=_mesh,
        scratch_types=[
            pltpu.VMEM((CW, B), jnp.int32),
            pltpu.VMEM((CW, B), jnp.int32),
            pltpu.VMEM((K, B, D), jnp.float32),
            pltpu.VMEM((16,), jnp.int32),
            pltpu.VMEM_SHARED((AR, D), jnp.float32),
            pltpu.SemaphoreType.DMA((K,)),
        ],
    )(y, srcc, dstc, ncnt)



R = 1024


def _dinv(degp_ref):
    deg = degp_ref[0, :] + degp_ref[1, :] + 1.0
    return lax.rsqrt(jnp.maximum(deg, 1.0))


def _tc_first_body(x_ref, degp_ref, w_ref, y_ref):
    dinv = _dinv(degp_ref)
    xw = lax.dot_general(x_ref[...], w_ref[...], (((1,), (0,)), ((), ())),
                         preferred_element_type=jnp.float32)
    y_ref[...] = xw * dinv[:, None]


def _tc_mid_body(m_ref, yprev_ref, degp_ref, b_ref, w_ref, y_ref):
    dinv = _dinv(degp_ref)
    ssum = m_ref[...] + yprev_ref[...]
    h = jnp.maximum(ssum * dinv[:, None] + b_ref[...], 0.0)
    hw = lax.dot_general(h, w_ref[...], (((1,), (0,)), ((), ())),
                         preferred_element_type=jnp.float32)
    y_ref[...] = hw * dinv[:, None]


def _tc_last_body(m_ref, yprev_ref, degp_ref, b_ref, o_ref):
    dinv = _dinv(degp_ref)
    ssum = m_ref[...] + yprev_ref[...]
    o_ref[...] = ssum * dinv[:, None] + b_ref[...]


_row_spec = pl.BlockSpec((R, D), lambda i: (i, 0))
_deg_spec = pl.BlockSpec((NC, R), lambda i: (0, i))
_b_spec = pl.BlockSpec((1, D), lambda i: (0, 0))
_w_spec = pl.BlockSpec((D, D), lambda i: (0, 0))
_y_sds = jax.ShapeDtypeStruct((NP, D), jnp.float32)


@jax.jit
def _tc_first(xp, degp, W):
    return pl.pallas_call(
        _tc_first_body,
        grid=(NP // R,),
        in_specs=[_row_spec, _deg_spec, _w_spec],
        out_specs=_row_spec,
        out_shape=_y_sds,
    )(xp, degp, W)


@jax.jit
def _tc_mid(m, yprev, degp, b2d, W):
    return pl.pallas_call(
        _tc_mid_body,
        grid=(NP // R,),
        in_specs=[_row_spec, _row_spec, _deg_spec, _b_spec, _w_spec],
        out_specs=_row_spec,
        out_shape=_y_sds,
    )(m, yprev, degp, b2d, W)


@jax.jit
def _tc_last(m, yprev, degp, b2d):
    return pl.pallas_call(
        _tc_last_body,
        grid=(NP // R,),
        in_specs=[_row_spec, _row_spec, _deg_spec, _b_spec],
        out_specs=_row_spec,
        out_shape=_y_sds,
    )(m, yprev, degp, b2d)



def kernel(x, edge_index, W1, b1, W2, b2, W3, b3):
    xp = jnp.zeros((NP, D), jnp.float32).at[:N].set(x)
    pad = jnp.full((EP - E,), NP - 1, jnp.int32)
    src = jnp.concatenate([edge_index[0], pad])
    dst = jnp.concatenate([edge_index[1], pad])
    dst3 = dst.reshape(NW, C, B)

    degp = _deg_call(dst3)
    srcc, dstc, ncnt = _route_call(src, dst)
    srcc = srcc.reshape(NC, NS, CW, B)
    dstc = dstc.reshape(NC, NS, CW, B)

    y1 = _tc_first(xp, degp, W1)
    m1 = _msg_call(y1, srcc, dstc, ncnt)
    y2 = _tc_mid(m1, y1, degp, b1.reshape(1, D), W2)
    m2 = _msg_call(y2, srcc, dstc, ncnt)
    y3 = _tc_mid(m2, y2, degp, b2.reshape(1, D), W3)
    m3 = _msg_call(y3, srcc, dstc, ncnt)
    out = _tc_last(m3, y3, degp, b3.reshape(1, D))
    return out[:N]

# --- scband reference (transcript-rebuilt; emitter-appended) ---
"""Pipeline reference for scband-gcnmodel-62036507623981 (READ-ONLY COPY).

The authoritative reference and input builder live on the scoring server;
editing this copy changes nothing except your own understanding.
"""

import jax, jax.numpy as jnp
import numpy as np

N = 10000
E = 320000
D = 128


def gcn_conv(x, edge_index, W, b):
    n = x.shape[0]
    loop = jnp.arange(n, dtype=edge_index.dtype)
    src = jnp.concatenate([edge_index[0], loop])
    dst = jnp.concatenate([edge_index[1], loop])
    deg = jnp.zeros((n,), dtype=x.dtype).at[dst].add(1.0)
    dinv = jax.lax.rsqrt(jnp.maximum(deg, 1.0))
    norm = dinv[src] * dinv[dst]
    xw = x @ W
    msg = xw[src] * norm[:, None]
    out = jnp.zeros((n, W.shape[1]), dtype=x.dtype).at[dst].add(msg)
    return out + b


def setup_inputs(seed: int = 0) -> dict:
    key = jax.random.key(seed)
    ks = jax.random.split(key, 8)
    x = jax.random.normal(ks[0], (N, D), dtype=jnp.float32)
    edge_index = jax.random.randint(ks[1], (2, E), 0, N, dtype=jnp.int32)
    s = 1.0 / np.sqrt(D)
    W1 = jax.random.uniform(ks[2], (D, D), jnp.float32, -s, s)
    b1 = jnp.zeros((D,), jnp.float32)
    W2 = jax.random.uniform(ks[3], (D, D), jnp.float32, -s, s)
    b2 = jnp.zeros((D,), jnp.float32)
    W3 = jax.random.uniform(ks[4], (D, D), jnp.float32, -s, s)
    b3 = jnp.zeros((D,), jnp.float32)
    return {"x": x, "edge_index": edge_index, "W1": W1, "b1": b1, "W2": W2, "b2": b2, "W3": W3, "b3": b3}


def reference(x, edge_index, W1, b1, W2, b2, W3, b3):
    h = jax.nn.relu(gcn_conv(x, edge_index, W1, b1))
    h = jax.nn.relu(gcn_conv(h, edge_index, W2, b2))
    out = gcn_conv(h, edge_index, W3, b3)
    return out

if __name__ == "__main__":
    import jax
    _d = setup_inputs()
    print(jax.jit(kernel)(*tuple(_d.values())))

</pallas_src>

<mosaic_0001>
#map = affine_map<(d0, d1) -> (0, 0, 0)>
#map1 = affine_map<(d0, d1) -> (0, 0)>
module attributes {stable_mosaic.version = 14 : i64} {
  func.func @_deg_body(%arg0: i32, %arg1: i32, %arg2: memref<32x80x128xi32, #tpu.memory_space<hbm>>, %arg3: memref<2x10240xf32, #tpu.memory_space<hbm>>, %arg4: memref<80x128xi32, #tpu.memory_space<vmem>>, %arg5: memref<128xf32, #tpu.memory_space<vmem>>, %arg6: memref<640xf32, #tpu.memory_space<vmem>>, %arg7: memref<10240xf32, #tpu.memory_space<vmem_shared>>) attributes {dimension_semantics = [#tpu.dimension_semantics<core_parallel>, #tpu.dimension_semantics<subcore_parallel>], iteration_bounds = array<i64: 2, 16>, scalar_prefetch = 0 : i64, scratch_operands = 4 : i64, tpu.core_type = #tpu.core_type<sc_vector_subcore>, window_params = [{transform_indices = #map}, {transform_indices = #map1}]} {
    %mul3A = arith.constant 16 : i32
    %mul3A_0 = arith.muli %arg0, %mul3A : i32
    %add3A = arith.addi %mul3A_0, %arg1 : i32
    %scan3A = arith.constant 0 : i32
    %scan3A_1 = arith.constant 8 : i32
    %scan3A_2 = arith.addi %scan3A, %scan3A_1 : i32
    %scan3A_3 = arith.constant 1 : i32
    scf.for %scan3A_22 = %scan3A to %scan3A_2 step %scan3A_3  : i32 {
      %mul3A_23 = arith.constant 16 : i32
      %mul3A_24 = arith.muli %scan3A_22, %mul3A_23 : i32
      %add3A_25 = arith.constant 0 : i32
      %add3A_26 = arith.addi %add3A_25, %mul3A_24 : i32
      %broadcast_in_dim3A = arith.constant 1.000000e+00 : f32
      %broadcast_in_dim3A_27 = vector.broadcast %broadcast_in_dim3A : f32 to vector<16xf32>
      %swap3A = arith.index_cast %add3A_26 : i32 to index
      %swap3A_28 = tpu.vector_load %arg5[%swap3A] {strides = array<i32>} : memref<128xf32, #tpu.memory_space<vmem>>, vector<16xf32>,
      %swap3A_29 = vector.shape_cast %swap3A_28 : vector<16xf32> to vector<16xf32>
      %swap3A_30 = vector.shape_cast %broadcast_in_dim3A_27 : vector<16xf32> to vector<16xf32>
      tpu.vector_store %arg5[%swap3A], %swap3A_30 {strides = array<i32>} : memref<128xf32, #tpu.memory_space<vmem>>, vector<16xf32>,
    }
    %scan3A_4 = arith.constant 8 : i32
    %scan3A_5 = arith.constant 0 : i32
    %scan3A_6 = arith.constant 40 : i32
    %scan3A_7 = arith.addi %scan3A_5, %scan3A_6 : i32
    %scan3A_8 = arith.constant 1 : i32
    scf.for %scan3A_22 = %scan3A_5 to %scan3A_7 step %scan3A_8  : i32 {
      %mul3A_23 = arith.constant 16 : i32
      %mul3A_24 = arith.muli %scan3A_22, %mul3A_23 : i32
      %add3A_25 = arith.constant 0 : i32
      %add3A_26 = arith.addi %add3A_25, %mul3A_24 : i32
      %broadcast_in_dim3A = arith.constant 0.000000e+00 : f32
      %broadcast_in_dim3A_27 = vector.broadcast %broadcast_in_dim3A : f32 to vector<16xf32>
      %swap3A = arith.index_cast %add3A_26 : i32 to index
      %swap3A_28 = tpu.vector_load %arg6[%swap3A] {strides = array<i32>} : memref<640xf32, #tpu.memory_space<vmem>>, vector<16xf32>,
      %swap3A_29 = vector.shape_cast %swap3A_28 : vector<16xf32> to vector<16xf32>
      %swap3A_30 = vector.shape_cast %broadcast_in_dim3A_27 : vector<16xf32> to vector<16xf32>
      tpu.vector_store %arg6[%swap3A], %swap3A_30 {strides = array<i32>} : memref<640xf32, #tpu.memory_space<vmem>>, vector<16xf32>,
    }
    %scan3A_9 = arith.constant 40 : i32
    %mul3A_10 = arith.constant 640 : i32
    %mul3A_11 = arith.muli %arg1, %mul3A_10 : i32
    "tpu.region"() ({
      %run_scoped3A = tpu.sem_alloc : memref<!tpu.dma_semaphore, #tpu.memory_space<semaphore_mem>>
      %dma_start3A = tpu.memref_slice %arg7[%mul3A_11] : memref<10240xf32, #tpu.memory_space<vmem_shared>> -> memref<640xf32, #tpu.memory_space<vmem_shared>>
      %dma_start3A_22 = tpu.memref_slice %arg7[%mul3A_11] : memref<10240xf32, #tpu.memory_space<vmem_shared>> -> memref<640xf32, #tpu.memory_space<vmem_shared>>
      tpu.enqueue_dma source(%arg6 : memref<640xf32, #tpu.memory_space<vmem>>) target(%dma_start3A_22 : memref<640xf32, #tpu.memory_space<vmem_shared>>) target_semaphore(%run_scoped3A : memref<!tpu.dma_semaphore, #tpu.memory_space<semaphore_mem>>)
      %dma_wait3A = tpu.memref_slice %arg7[%mul3A_11] : memref<10240xf32, #tpu.memory_space<vmem_shared>> -> memref<640xf32, #tpu.memory_space<vmem_shared>>
      %dma_wait3A_23 = tpu.memref_slice %arg7[%mul3A_11] : memref<10240xf32, #tpu.memory_space<vmem_shared>> -> memref<640xf32, #tpu.memory_space<vmem_shared>>
      tpu.wait_dma2 semaphore(%run_scoped3A : memref<!tpu.dma_semaphore, #tpu.memory_space<semaphore_mem>>) src(%arg6 : memref<640xf32, #tpu.memory_space<vmem>>) dst(%dma_wait3A_23 : memref<640xf32, #tpu.memory_space<vmem_shared>>)
      tpu.yield
    }) : () -> ()
    "tpu.region"() ({
      %run_scoped3A = tpu.sem_alloc : memref<!tpu.dma_semaphore, #tpu.memory_space<semaphore_mem>>
      %dma_start3A = arith.constant 0 : i32
      %dma_start3A_22 = arith.constant 0 : i32
      %dma_start3A_23 = tpu.memref_slice %arg2[%add3A, %dma_start3A, %dma_start3A_22] : memref<32x80x128xi32, #tpu.memory_space<hbm>> -> memref<1x80x128xi32, #tpu.memory_space<hbm>>
      %dma_start3A_24 = tpu.memref_squeeze %dma_start3A_23 : memref<1x80x128xi32, #tpu.memory_space<hbm>> -> memref<80x128xi32, #tpu.memory_space<hbm>>
      %dma_start3A_25 = arith.constant 0 : i32
      %dma_start3A_26 = arith.constant 0 : i32
      %dma_start3A_27 = tpu.memref_slice %arg2[%add3A, %dma_start3A_25, %dma_start3A_26] : memref<32x80x128xi32, #tpu.memory_space<hbm>> -> memref<1x80x128xi32, #tpu.memory_space<hbm>>
      %dma_start3A_28 = tpu.memref_squeeze %dma_start3A_27 : memref<1x80x128xi32, #tpu.memory_space<hbm>> -> memref<80x128xi32, #tpu.memory_space<hbm>>
      tpu.enqueue_dma source(%dma_start3A_28 : memref<80x128xi32, #tpu.memory_space<hbm>>) target(%arg4 : memref<80x128xi32, #tpu.memory_space<vmem>>) target_semaphore(%run_scoped3A : memref<!tpu.dma_semaphore, #tpu.memory_space<semaphore_mem>>)
      %dma_wait3A = arith.constant 0 : i32
      %dma_wait3A_29 = arith.constant 0 : i32
      %dma_wait3A_30 = tpu.memref_slice %arg2[%add3A, %dma_wait3A, %dma_wait3A_29] : memref<32x80x128xi32, #tpu.memory_space<hbm>> -> memref<1x80x128xi32, #tpu.memory_space<hbm>>
      %dma_wait3A_31 = tpu.memref_squeeze %dma_wait3A_30 : memref<1x80x128xi32, #tpu.memory_space<hbm>> -> memref<80x128xi32, #tpu.memory_space<hbm>>
      %dma_wait3A_32 = arith.constant 0 : i32
      %dma_wait3A_33 = arith.constant 0 : i32
      %dma_wait3A_34 = tpu.memref_slice %arg2[%add3A, %dma_wait3A_32, %dma_wait3A_33] : memref<32x80x128xi32, #tpu.memory_space<hbm>> -> memref<1x80x128xi32, #tpu.memory_space<hbm>>
      %dma_wait3A_35 = tpu.memref_squeeze %dma_wait3A_34 : memref<1x80x128xi32, #tpu.memory_space<hbm>> -> memref<80x128xi32, #tpu.memory_space<hbm>>
      tpu.wait_dma2 semaphore(%run_scoped3A : memref<!tpu.dma_semaphore, #tpu.memory_space<semaphore_mem>>) src(%dma_wait3A_35 : memref<80x128xi32, #tpu.memory_space<hbm>>) dst(%arg4 : memref<80x128xi32, #tpu.memory_space<vmem>>)
      tpu.yield
    }) : () -> ()
    %barrier3A = arith.constant 0 : index
    tpu.barrier barrier_id(%barrier3A)
    %scan3A_12 = arith.constant 0 : i32
    %scan3A_13 = arith.constant 80 : i32
    %scan3A_14 = arith.addi %scan3A_12, %scan3A_13 : i32
    %scan3A_15 = arith.constant 1 : i32
    scf.for %scan3A_22 = %scan3A_12 to %scan3A_14 step %scan3A_15  : i32 {
      %mul3A_23 = arith.constant 1 : i32
      %mul3A_24 = arith.muli %scan3A_22, %mul3A_23 : i32
      %add3A_25 = arith.constant 0 : i32
      %add3A_26 = arith.addi %add3A_25, %mul3A_24 : i32
      "tpu.region"() ({
        %run_scoped3A = tpu.sem_alloc : memref<!tpu.dma_semaphore, #tpu.memory_space<semaphore_mem>>
        %dma_start3A = arith.constant 0 : i32
        %dma_start3A_27 = tpu.memref_slice %arg4[%add3A_26, %dma_start3A] : memref<80x128xi32, #tpu.memory_space<vmem>> -> memref<1x128xi32, #tpu.memory_space<vmem>>
        %dma_start3A_28 = tpu.memref_squeeze %dma_start3A_27 : memref<1x128xi32, #tpu.memory_space<vmem>> -> memref<128xi32, #tpu.memory_space<vmem>>
        %dma_start3A_29 = arith.constant 0 : i32
        %dma_start3A_30 = tpu.memref_slice %arg7[%dma_start3A_29] : memref<10240xf32, #tpu.memory_space<vmem_shared>> -> memref<10240xf32, #tpu.memory_space<vmem_shared>>
        tpu.enqueue_indirect_dma source(%arg5 : memref<128xf32, #tpu.memory_space<vmem>>) target(%dma_start3A_30 : memref<10240xf32, #tpu.memory_space<vmem_shared>>) offsets(%dma_start3A_28 : memref<128xi32, #tpu.memory_space<vmem>>) semaphore(%run_scoped3A : memref<!tpu.dma_semaphore, #tpu.memory_space<semaphore_mem>>) {add = true}
        %dma_wait3A = arith.constant 0 : i32
        %dma_wait3A_31 = tpu.memref_slice %arg4[%add3A_26, %dma_wait3A] : memref<80x128xi32, #tpu.memory_space<vmem>> -> memref<1x128xi32, #tpu.memory_space<vmem>>
        %dma_wait3A_32 = tpu.memref_squeeze %dma_wait3A_31 : memref<1x128xi32, #tpu.memory_space<vmem>> -> memref<128xi32, #tpu.memory_space<vmem>>
        %dma_wait3A_33 = arith.constant 0 : i32
        %dma_wait3A_34 = tpu.memref_slice %arg7[%dma_wait3A_33] : memref<10240xf32, #tpu.memory_space<vmem_shared>> -> memref<10240xf32, #tpu.memory_space<vmem_shared>>
        tpu.wait_indirect_dma semaphore(%run_scoped3A : memref<!tpu.dma_semaphore, #tpu.memory_space<semaphore_mem>>) src(%arg5 : memref<128xf32, #tpu.memory_space<vmem>>) dst(%dma_wait3A_34 : memref<10240xf32, #tpu.memory_space<vmem_shared>>)
        tpu.yield
      }) : () -> ()
    }
    %scan3A_16 = arith.constant 80 : i32
    %barrier3A_17 = arith.constant 0 : index
    tpu.barrier barrier_id(%barrier3A_17)
    %mul3A_18 = arith.constant 640 : i32
    %mul3A_19 = arith.muli %arg1, %mul3A_18 : i32
    %mul3A_20 = arith.constant 640 : i32
    %mul3A_21 = arith.muli %arg1, %mul3A_20 : i32
    "tpu.region"() ({
      %run_scoped3A = tpu.sem_alloc : memref<!tpu.dma_semaphore, #tpu.memory_space<semaphore_mem>>
      %dma_start3A = tpu.memref_slice %arg3[%arg0, %mul3A_21] : memref<2x10240xf32, #tpu.memory_space<hbm>> -> memref<1x640xf32, #tpu.memory_space<hbm>>
      %dma_start3A_22 = tpu.memref_squeeze %dma_start3A : memref<1x640xf32, #tpu.memory_space<hbm>> -> memref<640xf32, #tpu.memory_space<hbm>>
      %dma_start3A_23 = tpu.memref_slice %arg7[%mul3A_19] : memref<10240xf32, #tpu.memory_space<vmem_shared>> -> memref<640xf32, #tpu.memory_space<vmem_shared>>
      tpu.enqueue_dma source(%dma_start3A_23 : memref<640xf32, #tpu.memory_space<vmem_shared>>) target(%dma_start3A_22 : memref<640xf32, #tpu.memory_space<hbm>>) target_semaphore(%run_scoped3A : memref<!tpu.dma_semaphore, #tpu.memory_space<semaphore_mem>>)
      %dma_wait3A = tpu.memref_slice %arg3[%arg0, %mul3A_21] : memref<2x10240xf32, #tpu.memory_space<hbm>> -> memref<1x640xf32, #tpu.memory_space<hbm>>
      %dma_wait3A_24 = tpu.memref_squeeze %dma_wait3A : memref<1x640xf32, #tpu.memory_space<hbm>> -> memref<640xf32, #tpu.memory_space<hbm>>
      %dma_wait3A_25 = tpu.memref_slice %arg7[%mul3A_19] : memref<10240xf32, #tpu.memory_space<vmem_shared>> -> memref<640xf32, #tpu.memory_space<vmem_shared>>
      tpu.wait_dma2 semaphore(%run_scoped3A : memref<!tpu.dma_semaphore, #tpu.memory_space<semaphore_mem>>) src(%dma_wait3A_25 : memref<640xf32, #tpu.memory_space<vmem_shared>>) dst(%dma_wait3A_24 : memref<640xf32, #tpu.memory_space<hbm>>)
      tpu.yield
    }) : () -> ()
    return
  }
}

</mosaic_0001>

<sc_bundles>
// kernel: _deg_call.3.cloned.1.call-start
scs
__scs_entry_jumppad:
0x0: {  	(pc) =	sbr.rel $0x88, $3  }
0x1: {  	(tag) =	ssettag $0x0;
	lr =	simm.s32 $0x1  }
0x2: {  	[smem:$0x3FA0] =	sst lr;
	_ =	strace $0xD0000000  }
0x3: {  	_ = 	snop  }
0x4: {  	_ = 	snop  }
0x5: {  	_ = 	snop  }
0x6: {  	_ = 	snop  }
0x7: {  	_ = 	snop  }
__scs_overlays_trampoline_lowered:
0x8: {  	[smem:$0x3FAF] =	sst s0  }
0x9: {  	[smem:$0x3FB0] =	sst s1  }
0xa: {  	[smem:$0x3FB1] =	sst s2  }
0xb: {  	[smem:$0x3FB2] =	sst s3  }
0xc: {  	[smem:$0x3FB3] =	sst s4  }
0xd: {  	[smem:$0x3FB4] =	sst s5  }
0xe: {  	[smem:$0x3FB5] =	sst s6  }
0xf: {  	[smem:$0x3FB6] =	sst s7  }
0x10: {  	[smem:$0x3FB7] =	sst s8  }
0x11: {  	[smem:$0x3FB8] =	sst s9;
	s0 =	simm.s32 @!p0 $0x0  }
0x12: {  	s1 =	sld [smem:$0x3F9E];
	s0 =	simm.s32 @p0 $0x1  }
0x13: {  	[smem:$0x3FB9] =	sst s0;
	s0 =	simm.s32 @!p1 $0x0  }
0x14: {  	s2 =	sld [smem:$0x3F9D];
	s0 =	simm.s32 @p1 $0x1  }
0x15: {  	[smem:$0x3FBA] =	sst s0;
	s0 =	simm.s32 @!p2 $0x0  }
0x16: {  	s3 =	sld [smem:$0x3FDB];
	s0 =	simm.s32 @p2 $0x1  }
0x17: {  	s4 =	simm.s32 $0x1BF5;
	[smem:$0x3FBC] =	sst s0  }
0x18: {  	s0 =	sld [smem:$0x3F9F];
	_ =	swait.ge [sflag:s4], $0x0  }
0x19: {  	s7 =	sld [smem:$0x3FA0]  }
0x1a: {  	s8 =	sadd.s32 $0xFFFFE003, lr  }
0x1b: {  	s9 =	sadd.s32 $0xFFFFFEF7, lr;
	s5 =	simm.s32 $0xFFFFFFFF;
	p2 =	slt.u32 s8, $0xFFFFF086  }
0x1c: {  	p1 =	slt.u32 s9, $0xF7A;
	s5 =	simm.s32 @!p2 $0x0  }
0x1d: {  	s5 =	simm.s32 @p1 $0x1;
	p0 =	seq.s32 s7, s2  }
0x1e: {  	s7 =	smul.u32 @!p0 $0xF7A, s2;
	p2 =	seq.s32 @!p0 s5, $0x0  }
0x1f: {  	s9 =	smul.u32 $0xF7A, s1;
	s8 =	simm.s32 @!p0 $0x1BF5;
	p2 =	por !p2, p0  }
0x20: {  	[sflag:s8] =	ssyncset.s32 @!p0 $0xFFFFF086;
	s6 =	sadd.s32 @!p0 s3, s7;
	s7 =	simm.s32 @!p0 $0x108  }
0x21: {  	s3 =	sadd.s32 s3, s9;
	s6 =	sadd.s32 @!p0 $0x88, s6;
	s7 =	simm.s32 @p2 $0x1082  }
0x22: {  	[simem:s7], [sflag:s8] =	dma.local @!p0 [hbm:s6], $0xF7A  }
0x23: {  	s9 =	sor.u32 $0xD0000000, s2;
	s6 =	simm.s32 $0x108;
	_ =	swait.ge @!p0 [sflag:s8], $0x0  }
0x24: {  	s3 =	sadd.s32 $0x88, s3;
	s6 =	simm.s32 @!p1 $0x1082;
	[sflag:s4] =	ssyncset.s32 $0xFFFFF086  }
0x25: {  	[simem:s6], [sflag:s4] =	dma.local [hbm:s3], $0xF7A  }
0x26: {  	[smem:$0x3FA0] =	sst s1;
	(tag) =	ssettag s2;
	_ =	strace s9  }
0x27: {  	s1 =	sld [smem:$0x3FB0]  }
0x28: {  	s2 =	sld [smem:$0x3FB1]  }
0x29: {  	s4 =	sld [smem:$0x3FB3]  }
0x2a: {  	p0 =	seq.s32 s5, $0x0;
	s5 =	sld [smem:$0x3FB4]  }
0x2b: {  	s6 =	sld [smem:$0x3FB5]  }
0x2c: {  	s7 =	sld [smem:$0x3FB6]  }
0x2d: {  	s3 =	simm.s32 $0x108;
	s8 =	sld [smem:$0x3FB7]  }
0x2e: {  	s3 =	simm.s32 @!p0 $0x1082;
	s9 =	sld [smem:$0x3FB8]  }
0x2f: {  	lr =	sadd.s32 s0, s3;
	s0 =	sld [smem:$0x3FAF]  }
0x30: {  	s3 =	sld [smem:$0x3FB2]  }
0x31: {  	[smem:$0x3FBB] =	sst s10  }
0x32: {  	s10 =	sld [smem:$0x3FB9];
	_ =	sdelay $0x3  }
0x33: {  	p0 =	seq.s32 s10, $0x1;
	s10 =	sld [smem:$0x3FBB];
	_ =	sdelay $0x3  }
0x34: {  	[smem:$0x3FBB] =	sst s10  }
0x35: {  	s10 =	sld [smem:$0x3FBA];
	_ =	sdelay $0x3  }
0x36: {  	p1 =	seq.s32 s10, $0x1;
	s10 =	sld [smem:$0x3FBB];
	_ =	sdelay $0x3  }
0x37: {  	[smem:$0x3FBB] =	sst s10  }
0x38: {  	s10 =	sld [smem:$0x3FBC]  }
0x39: {  	_ = 	snop;
	(pc) =	sbr.ind lr, $3  }
0x3a: {  	_ = 	snop  }
0x3b: {  	_ = 	snop  }
0x3c: {  	p2 =	seq.s32 s10, $0x1;
	s10 =	sld [smem:$0x3FBB]  }
0x3d: {  	_ =	shalt  }
0x3e: {  	_ =	shalt  }
0x3f: {  	_ =	shalt  }
0x40: {  	_ =	shalt  }
0x41: {  	_ =	shalt  }
0x42: {  	_ =	shalt  }
0x43: {  	_ =	shalt  }
0x44: {  	_ =	shalt  }
0x45: {  	_ =	shalt  }
0x46: {  	_ =	shalt  }
0x47: {  	_ =	shalt  }
0x48: {  	_ =	shalt  }
0x49: {  	_ =	shalt  }
0x4a: {  	_ =	shalt  }
0x4b: {  	_ =	shalt  }
0x4c: {  	_ =	shalt  }
0x4d: {  	_ =	shalt  }
0x4e: {  	_ =	shalt  }
0x4f: {  	_ =	shalt  }
0x50: {  	_ =	shalt  }
0x51: {  	_ =	shalt  }
0x52: {  	_ =	shalt  }
0x53: {  	_ =	shalt  }
0x54: {  	_ =	shalt  }
0x55: {  	_ =	shalt  }
0x56: {  	_ =	shalt  }
0x57: {  	_ =	shalt  }
0x58: {  	_ =	shalt  }
0x59: {  	_ =	shalt  }
0x5a: {  	_ =	shalt  }
0x5b: {  	_ =	shalt  }
0x5c: {  	_ =	shalt  }
0x5d: {  	_ =	shalt  }
0x5e: {  	_ =	shalt  }
0x5f: {  	_ =	shalt  }
0x60: {  	_ =	shalt  }
0x61: {  	_ =	shalt  }
0x62: {  	_ =	shalt  }
0x63: {  	_ =	shalt  }
0x64: {  	_ =	shalt  }
0x65: {  	_ =	shalt  }
0x66: {  	_ =	shalt  }
0x67: {  	_ =	shalt  }
0x68: {  	_ =	shalt  }
0x69: {  	_ =	shalt  }
0x6a: {  	_ =	shalt  }
0x6b: {  	_ =	shalt  }
0x6c: {  	_ =	shalt  }
0x6d: {  	_ =	shalt  }
0x6e: {  	_ =	shalt  }
0x6f: {  	_ =	shalt  }
0x70: {  	_ =	shalt  }
0x71: {  	_ =	shalt  }
0x72: {  	_ =	shalt  }
0x73: {  	_ =	shalt  }
0x74: {  	_ =	shalt  }
0x75: {  	_ =	shalt  }
0x76: {  	_ =	shalt  }
0x77: {  	_ =	shalt  }
0x78: {  	_ =	shalt  }
0x79: {  	_ =	shalt  }
0x7a: {  	_ =	shalt  }
0x7b: {  	_ =	shalt  }
0x7c: {  	_ =	shalt  }
0x7d: {  	_ =	shalt  }
0x7e: {  	_ =	shalt  }
0x7f: {  	_ =	shalt  }
0x80: {  	_ =	shalt  }
0x81: {  	_ =	shalt  }
0x82: {  	_ =	shalt  }
0x83: {  	_ =	shalt  }
0x84: {  	_ =	shalt  }
0x85: {  	_ =	shalt  }
0x86: {  	_ =	shalt  }
0x87: {  	_ =	shalt  }
.Lfunc_end0:
.L_simem_size_0:
called_computation_lowered:
.L_overlay_start_0:
0x88: {  	s2 =	sld [smem:$0x3FD9]  }
0x89: {  	s3 =	sld [smem:$0x3FFE];
	_ =	sdelay $0x1  }
0x8a: {  	s1 =	srdreg.scid  }
0x8b: {  	s0 =	sand.u32 $0x1, s1  }
0x8c: {  	s18 =	sshll.u32 s0, $0xA;
	s2 =	sadd.s32 s3, s2  }
0x8d: {  	s2 =	sadd.s32 s2, s18  }
0x8e: {  	[smem:$0x3FC7] =	sst s2  }
0x8f: {  	_ = 	snop  }
0x90: {  	s2 =	sld [smem:$0x3FC9]  }
0x91: {  	s19 =	sld [smem:$0x3FD0];
	(tm) =	ssettm $0x1  }
0x92: {  	s4 =	sld [smem:$0x3FFB];
	_ =	sdelay $0x3  }
0x93: {  	_ =	strace s4  }
0x94: {  	s4 =	sld [smem:$0x3FFC];
	_ =	sdelay $0x3  }
0x95: {  	_ =	strace s4  }
0x96: {  	s4 =	sld [smem:$0x3FFD];
	_ =	sdelay $0x3  }
0x97: {  	_ =	strace s4  }
0x98: {  	_ =	strace $0x8FFFFFFF  }
0x99: {  	s20 =	sld [smem:$0x3FDB];
	_ =	sdelay $0x1  }
0x9a: {  	s5 =	simm.s32 $_scs_section_size  }
0x9b: {  	s6 =	simm.s32 $_size__tile_overlayer_lowered;
	s7 =	simm.s32 $_tile_overlayer_lowered  }
0x9c: {  	s23 =	simm.s32 $0x1BFF;
	s22 =	sshll.u32 s7, $0x1;
	s4 =	sadd.s32 s5, s20  }
0x9d: {  	s8 =	simm.s32 $0x0;
	s21 =	sshll.u32 s6, $0x1;
	s6 =	sadd.s32 s22, s4  }
0x9e: {  	[timem:s8], [sflag:s23] =	dma.local [hbm:s6], s21  }
0x9f: {  	_ =	swait.ge [sflag:s23], s21  }
0xa0: {  	s5 =	ssub.s32 $0x0, s21;
	[sflag:s23] =	ssyncset.done $0x0  }
0xa1: {  	[sflag:s23] =	ssyncadd.s32 s5;
	_ =	sdelay $0x1  }
0xa2: {  	s24 =	simm.s32 $0x1B8B  }
0xa3: {  	_ =	swait.ge [sflag:s24], $0x1  }
0xa4: {  	[sflag:s24] =	ssyncset.done $0x0  }
0xa5: {  	s25 =	simm.s32 $0x1B8E;
	[sflag:s24] =	ssyncadd.s32 $0xFFFFFFFF  }
0xa6: {  	s26 =	simm.s32 $execute0_lowered;
	[smem:$0x3FD2] =	sst s25  }
0xa7: {  	s5 =	sshll.u32 s26, $0x1;
	_ =	strace $0x80000046;
	[dreg:$0x1] =	wrdreg $0xFFFFFFFF  }
0xa8: {  	s28 =	simm.s32 $_size_execute0_lowered;
	s4 =	sadd.s32 s4, s5;
	[dreg:$0x0] =	wrdreg $0x0  }
0xa9: {  	s5 =	sshll.u32 s28, $0x1;
	[dreg:$0x2] =	wrdreg s4  }
0xaa: {  	[dreg:$0x3] =	wrdreg s5  }
0xab: {  	[dreg:$0x4] =	wrdreg $0xC0  }
0xac: {  	_ =	task [dreg:s8], $0x5FFFF  }
0xad: {  	[dreg:$0x1] =	wrdreg $0xFFFFFFFF  }
0xae: {  	[dreg:$0x0] =	wrdreg $0x60  }
0xaf: {  	[dreg:$0x2] =	wrdreg s2  }
0xb0: {  	[dreg:$0x3] =	wrdreg s19  }
0xb1: {  	[dreg:$0x4] =	wrdreg $0x2B000  }
0xb2: {  	[dreg:$0x5] =	wrdreg $0x9  }
0xb3: {  	_ =	task.clear_ibuf [dreg:s8], $0x6FFFF;
	_ =	strace $0x90000046  }
0xb4: {  	s29 =	simm.s32 $0x9;
	_ =	strace $0x80000048  }
0xb5: {  	_ =	swait.ge [sflag:s29], $0x1  }
0xb6: {  	[sflag:s29] =	ssyncadd.s32 $0xFFFFFFFF  }
0xb7: {  	_ =	strace $0x90000048  }
0xb8: {  	_ =	sfence  }
0xb9: {  	s30 =	sld [smem:$0x0];
	_ =	sdelay $0x2  }
0xba: {  	s31 =	sshll.u32 s1, $0xD;
	s1 =	sshrl.u32 s1, $0x2  }
0xbb: {  	s3 =	sand.u32 $0x4000, s31;
	s1 =	sadd.s32 s1, s30  }
0xbc: {  	s0 =	sor.u32 s3, s0;
	s1 =	sshll.u32 s1, $0x11  }
0xbd: {  	s0 =	sor.u32 s1, s0  }
0xbe: {  	s0 =	sadd.s32 $0x8F2B, s0  }
0xbf: {  	[sflag:s0] =	ssyncadd.remote.s32 $0x1  }
0xc0: {  	_ =	sfence.sel $0xFFFF  }
0xc1: {  	[dreg:$0x0] =	wrdreg $0xFFFFFFFF;
	(pc) =	sbr.abs _section_cstart, $3  }
0xc2: {  	[dreg:$0x1] =	wrdreg $0xFFFFFFFF  }
0xc3: {  	_ =	task.clear_ibuf [dreg:s8], $0x2FFFF;
	_ =	strace $0x9FFFFFFF  }
0xc4: {  	(tm) =	ssettm $0x7FFFFFFF  }
0xc5: {  	_ =	shalt  }
tec
execute0_lowered:
.L_overlay_start_1:
0x0: {  	(tag) =	ssettag $0x1  }
0x1: {  	s5 =	rddreg [dreg:$0x0]  }
0x2: {  	s6 =	rddreg [dreg:$0x1]  }
0x3: {  	s1 =	rddreg [dreg:$0x2]  }
0x4: {  	s0 =	rddreg [dreg:$0x3];
	s3 =	simm.s32 $0x0;
	s4 =	srdreg.scid  }
0x5: {  	s2 =	stileid.u32;
	s14 =	simm.s32 $0x20;
	s15 =	simm.s32 $0x10  }
0x6: {  	s16 =	simm.s32 $0x0;
	[smem:$0x7FF] =	sst s3;
	s8 =	smul.u32 $0xA00, s2  }
0x7: {  	s4 =	sand.u32 $0x1, s4;
	s10 =	smul.u32 $0x500, s2;
	s12 =	sshll.u32 s2, $0x6  }
0x8: {  	_ =	strace $0x80000047;
	s7 =	sshll.u32 s4, $0x4;
	s9 =	ssub.s32 $0x2, s4  }
0x9: {  	s4 =	sshll.u32 s4, $0x7;
	s12 =	sor.u32 $0x1C01, s12;
	s7 =	sor.u32 s2, s7  }
0xa: {  	s11 =	sshrl.u32 s9, $0x1;
	s8 =	sshrl.u32 s8, $0x2;
	s10 =	sor.u32 s4, s10  }
0xb: {  	s7 =	smul.u32 $0x500, s7;
	s9 =	ssub.s32 s9, s11;
	s4 =	sadd.s32 s8, s1  }
0xc: {  	s31 =	sshrl.u32 s10, $0x3;
	s8 =	simm.s32 $0x2880;
	s10 =	simm.s32 $0x80  }
0xd: {  	s11 =	simm.s32 $0x2800;
	s6 =	sadd.s32 s6, s31;
	s13 =	sshrl.u32 s4, $0x3  }
0xe: {  	v0 =	vimm.f32 $1.000000000e+00;
	v1 =	vimm.f32 $0.0e+00;
	s5 =	sadd.s32 s5, s7;
	s7 =	smax.u32 s9, $0x1;
	s9 =	simm.s32 $0x1  }
.LBB2_1:
0xf: {  	[tilespmem:$0x2800] =	vst v0  }
0x10: {  	[tilespmem:$0x2810] =	vst v0  }
0x11: {  	[tilespmem:$0x2820] =	vst v0  }
0x12: {  	[tilespmem:$0x2830] =	vst v0  }
0x13: {  	[tilespmem:$0x2840] =	vst v0  }
0x14: {  	[tilespmem:$0x2850] =	vst v0  }
0x15: {  	[tilespmem:$0x2860] =	vst v0  }
0x16: {  	[tilespmem:$0x2870] =	vst v0  }
0x17: {  	[tilespmem:$0x2880] =	vst v1  }
0x18: {  	[tilespmem:$0x2890] =	vst v1  }
0x19: {  	[tilespmem:$0x28A0] =	vst v1  }
0x1a: {  	[tilespmem:$0x28B0] =	vst v1  }
0x1b: {  	[tilespmem:$0x28C0] =	vst v1  }
0x1c: {  	[tilespmem:$0x28D0] =	vst v1  }
0x1d: {  	[tilespmem:$0x28E0] =	vst v1  }
0x1e: {  	[tilespmem:$0x28F0] =	vst v1  }
0x1f: {  	[tilespmem:$0x2900] =	vst v1  }
0x20: {  	[tilespmem:$0x2910] =	vst v1  }
0x21: {  	[tilespmem:$0x2920] =	vst v1  }
0x22: {  	[tilespmem:$0x2930] =	vst v1  }
0x23: {  	[tilespmem:$0x2940] =	vst v1  }
0x24: {  	[tilespmem:$0x2950] =	vst v1  }
0x25: {  	[tilespmem:$0x2960] =	vst v1  }
0x26: {  	[tilespmem:$0x2970] =	vst v1  }
0x27: {  	[tilespmem:$0x2980] =	vst v1  }
0x28: {  	[tilespmem:$0x2990] =	vst v1  }
0x29: {  	[tilespmem:$0x29A0] =	vst v1  }
0x2a: {  	[tilespmem:$0x29B0] =	vst v1  }
0x2b: {  	[tilespmem:$0x29C0] =	vst v1  }
0x2c: {  	[tilespmem:$0x29D0] =	vst v1  }
0x2d: {  	[tilespmem:$0x29E0] =	vst v1  }
0x2e: {  	[tilespmem:$0x29F0] =	vst v1  }
0x2f: {  	[tilespmem:$0x2A00] =	vst v1  }
0x30: {  	[tilespmem:$0x2A10] =	vst v1  }
0x31: {  	[tilespmem:$0x2A20] =	vst v1  }
0x32: {  	[tilespmem:$0x2A30] =	vst v1  }
0x33: {  	[tilespmem:$0x2A40] =	vst v1  }
0x34: {  	[tilespmem:$0x2A50] =	vst v1  }
0x35: {  	[tilespmem:$0x2A60] =	vst v1  }
0x36: {  	[tilespmem:$0x2A70] =	vst v1  }
0x37: {  	[tilespmem:$0x2A80] =	vst v1  }
0x38: {  	[tilespmem:$0x2A90] =	vst v1  }
0x39: {  	[tilespmem:$0x2AA0] =	vst v1  }
0x3a: {  	[tilespmem:$0x2AB0] =	vst v1  }
0x3b: {  	[tilespmem:$0x2AC0] =	vst v1  }
0x3c: {  	[tilespmem:$0x2AD0] =	vst v1  }
0x3d: {  	[tilespmem:$0x2AE0] =	vst v1  }
0x3e: {  	[tilespmem:$0x2AF0] =	vst v1  }
0x3f: {  	[spmem:s4] =	stream.linear.scatter [tilespmem:s8], [sflag:$0x1], $0x280, $0x38;
	[tilespmem:$0x2D80] =	vst v63  }
0x40: {  	_ =	swait.ge [sflag:s9], $0x280  }
0x41: {  	[sflag:s9] =	ssyncset.done $0x0  }
0x42: {  	[sflag:s9] =	ssyncadd.s32 $0xFFFFFD80  }
0x43: {  	[tilespmem:s3], [sflag:$0x1] =	stream.linear.gather [hbm4b:s5+s3], $0x2800, $0x38;
	[tilespmem:$0x2D80] =	vst v63  }
0x44: {  	_ =	swait.ge [sflag:s9], $0x2800  }
0x45: {  	[sflag:s9] =	ssyncset.done $0x0  }
0x46: {  	[sflag:s9] =	ssyncadd.s32 $0xFFFFD800  }
0x47: {  	s17 =	simm.s32 $0x0;
	[bflag:$0x0] =	sbarrier.arrive $0xFFFF  }
0x48: {  	[spmem:s1] =	stream.indirect.scatter.add.f32 [tilespmem:s11], [sflag:$0x1], $0x1, s17, s10, $0xb8;
	[tilespmem:$0x2D80] =	vst v63  }
0x49: {  	_ =	swait.ge [sflag:s9], $0x80  }
0x4a: {  	s17 =	simm.s32 $0x200;
	[sflag:s9] =	ssyncset.done $0x0  }
.LBB2_2:
0x4b: {  	s18 =	sshra.s32 s17, $0x2;
	[sflag:s9] =	ssyncadd.s32 $0xFFFFFF80;
	p0 =	sne.s32 s17, $0x9E00  }
0x4c: {  	[spmem:s1] =	stream.indirect.scatter.add.f32 [tilespmem:s11], [sflag:$0x1], $0x1, s18, s10, $0xb8;
	[tilespmem:$0x2D80] =	vst v63  }
.Ltmp0:
0x4d: {  	_ = 	snop;
	(pc) =	sbr.rel @p0 .LBB2_2-.Ltmp0, $4  }
0x4e: {  	_ = 	snop  }
0x4f: {  	s17 =	sadd.s32 $0x200, s17  }
0x50: {  	_ =	swait.ge [sflag:s9], $0x80  }
0x51: {  	[sflag:s9] =	ssyncset.done $0x0  }
0x52: {  	s16 =	sadd.s32 $0x1, s16  }
0x53: {  	[sflag:s9] =	ssyncadd.s32 $0xFFFFFF80;
	p0 =	sne.s32 s16, s7  }
.Ltmp1:
0x54: {  	[bflag:$0x0] =	sbarrier.arrive $0xFFFF;
	(pc) =	sbr.rel @p0 .LBB2_1-.Ltmp1, $4  }
0x55: {  	[hbm:s6@s14], [sflag:s12] =	dma.strided [spmem:s13@s15], $0x50, s9, $0x10   }
0x56: {  	_ =	swait.ge [sflag:s9], $0x50  }
0x57: {  	[sflag:s9] =	ssyncset.done $0x0  }
0x58: {  	[sflag:s9] =	ssyncadd.s32 $0xFFFFFFB0  }
0x59: {  	_ =	sfence.sel $0x180000  }
0x5a: {  	[bflag:$0x0] =	sbarrier.arrive $0xFFFF  }
0x5b: {  	p0 =	sne.s32 s2, $0x0;
	_ =	strace $0x90000047  }
0x5c: {  	s0 =	sadd.s32 @!p0 $0x100000, s0;
	[bflag:$0x2] =	sbarrier.arrive $0xFFFF  }
0x5d: {  	[sflag:s0] =	ssyncadd.tile.s32 @!p0 $0x1;
	_ =	shalt  }
.Lfunc_end2:
_tile_overlayer_lowered:
.L_overlay_start_2:
0x5e: {  	(tag) =	ssettag $0x2  }
0x5f: {  	s0 =	rddreg [dreg:$0x0];
	s2 =	stileid.u32  }
0x60: {  	s1 =	rddreg [dreg:$0x1];
	p0 =	sne.s32 s2, $0x0  }
0x61: {  	s3 =	rddreg [dreg:$0x2];
	[bflag:$0x3] =	sbarrier.arrive $0xFFFF;
	s2 =	simm.s32 @!p0 $0x1C01  }
0x62: {  	[timem:s3], [sflag:s2] =	dma.local @!p0 [hbm:s0], s1  }
0x63: {  	s0 =	simm.s32 @!p0 $0x1  }
0x64: {  	_ =	swait.ge @!p0 [sflag:s0], s1  }
0x65: {  	s1 =	ssub.s32 @!p0 $0x0, s1;
	[sflag:s0] =	ssyncset.done @!p0 $0x0  }
0x66: {  	[sflag:s0] =	ssyncadd.s32 @!p0 s1  }
0x67: {  	[bflag:$0x3] =	sbarrier.arrive $0xFFFF  }
0x68: {  	_ =	shalt  }

</sc_bundles>
